<compile_context>
chip_gen: v7x
topology: tpu7x:2x2x1
jax: 0.10.2.dev20260603
libtpu: 0.0.44.dev20260713+nightly
codegen_flags: <defaults>
</compile_context>

<pallas_src>
import jax
import jax.numpy as jnp
from jax.experimental import pallas as pl
from functools import partial

_EPS = 1e-5



def _density_body(rows_ref, cols_ref, out_ref, *, inv2bw2, scale):
    rows = rows_ref[0]
    cols = cols_ref[0]
    mm = jnp.dot(rows.astype(jnp.bfloat16), cols.astype(jnp.bfloat16).T,
                 preferred_element_type=jnp.float32)
    d2 = (jnp.sum(rows * rows, axis=1, keepdims=True) - 2.0 * mm
          ) + jnp.sum(cols * cols, axis=1)[None, :]
    g = jnp.exp(d2 * (-inv2bw2))
    out_ref[...] = (jnp.sum(g, axis=1) * scale)[None, None, :]


def _fused_density(xyz_cn, bw):
    B, _, N = xyz_cn.shape
    xyz8 = jnp.transpose(jnp.pad(xyz_cn, ((0, 0), (0, 5), (0, 0))), (0, 2, 1))
    TM = min(512, N)
    grid = (B, N // TM)
    scale = 1.0 / (2.5 * bw) / N
    return pl.pallas_call(
        partial(_density_body, inv2bw2=1.0 / (2.0 * bw * bw), scale=scale),
        grid=grid,
        in_specs=[
            pl.BlockSpec((1, TM, 8), lambda b, i: (b, i, 0)),
            pl.BlockSpec((1, N, 8), lambda b, i: (b, 0, 0)),
        ],
        out_specs=pl.BlockSpec((1, 1, TM), lambda b, i: (b, 0, i)),
        out_shape=jax.ShapeDtypeStruct((B, 1, N), jnp.float32),
    )(xyz8, xyz8).reshape(B, N)



def _fps_body(xyz_ref, out_ref, *, npoint):
    xyz = xyz_ref[0]
    N = xyz.shape[0]
    lane = jax.lax.broadcasted_iota(jnp.int32, (1, npoint), 1)

    def step(i, carry):
        dist, far, acc = carry
        acc = acc + far * (lane == i).astype(jnp.int32)
        centroid = xyz_ref[0, pl.ds(far, 1), :]
        d = jnp.sum((xyz - centroid) ** 2, axis=1, keepdims=True)
        dist = jnp.minimum(dist, d)
        far = jnp.argmax(dist[:, 0]).astype(jnp.int32)
        return dist, far, acc

    dist0 = jnp.full((N, 1), 1e10, jnp.float32)
    _, _, acc = jax.lax.fori_loop(
        0, npoint, step,
        (dist0, jnp.int32(0), jnp.zeros((1, npoint), jnp.int32)))
    out_ref[...] = acc[None]


def _fused_fps(xyz, npoint):
    B, N, _ = xyz.shape
    xyz8 = jnp.pad(xyz, ((0, 0), (0, 0), (0, 5)))
    return pl.pallas_call(
        partial(_fps_body, npoint=npoint),
        grid=(B,),
        in_specs=[pl.BlockSpec((1, N, 8), lambda b: (b, 0, 0))],
        out_specs=pl.BlockSpec((1, 1, npoint), lambda b: (b, 0, 0)),
        out_shape=jax.ShapeDtypeStruct((B, 1, npoint), jnp.int32),
    )(xyz8).reshape(B, npoint)



def _square_distance(src, dst):
    return (jnp.sum(src ** 2, -1)[:, :, None]
            - 2.0 * jnp.matmul(src, jnp.transpose(dst, (0, 2, 1)))
            + jnp.sum(dst ** 2, -1)[:, None, :])


def _index_points(points, idx):
    return jax.vmap(lambda p, i: p[i])(points, idx)


def _fps_scan(xyz, npoint):
    B, N, _ = xyz.shape
    def step(state, _):
        distance, farthest = state
        centroid = _index_points(xyz, farthest[:, None])
        dist = jnp.sum((xyz - centroid) ** 2, axis=-1)
        distance = jnp.minimum(distance, dist)
        new_far = jnp.argmax(distance, axis=-1).astype(jnp.int32)
        return (distance, new_far), farthest
    init = (jnp.full((B, N), 1e10, xyz.dtype), jnp.zeros((B,), jnp.int32))
    _, cent = jax.lax.scan(step, init, None, length=npoint)
    return jnp.transpose(cent, (1, 0))


def _conv2d_bn(x, layer, act):
    W, b, g, bt = layer
    y = jnp.einsum('oc,bchw->bohw', W, x) + b[None, :, None, None]
    m = jnp.mean(y, axis=(0, 2, 3), keepdims=True)
    v = jnp.var(y, axis=(0, 2, 3), keepdims=True)
    y = (y - m) / jnp.sqrt(v + _EPS) * g[None, :, None, None] + bt[None, :, None, None]
    return jax.nn.relu(y) if act == 'relu' else jax.nn.sigmoid(y)


def _bn1d(x, g, b):
    m = jnp.mean(x, axis=(0, 2), keepdims=True)
    v = jnp.var(x, axis=(0, 2), keepdims=True)
    return (x - m) / jnp.sqrt(v + _EPS) * g[None, :, None] + b[None, :, None]


def _sa_layer(xyz, points, p, npoint, nsample, bandwidth, group_all):
    B = xyz.shape[0]
    N = xyz.shape[2]
    xyz_t = jnp.transpose(xyz, (0, 2, 1))
    points_t = jnp.transpose(points, (0, 2, 1))
    if N >= 512:
        density = _fused_density(xyz, bandwidth)
    else:
        density = jnp.mean(jnp.exp(-_square_distance(xyz_t, xyz_t)
                                   / (2.0 * bandwidth * bandwidth))
                           / (2.5 * bandwidth), axis=-1)
    inv_density = 1.0 / density
    if group_all:
        new_xyz = jnp.zeros((B, 1, 3), xyz.dtype)
        grouped_xyz = xyz_t[:, None, :, :]
        new_points = jnp.concatenate([grouped_xyz, points_t[:, None, :, :]], axis=-1)
        grouped_xyz_norm = grouped_xyz
        grouped_density = inv_density.reshape(B, 1, N, 1)
        S = 1
    else:
        fps_idx = _fps_scan(xyz_t, npoint)
        new_xyz = _index_points(xyz_t, fps_idx)
        sqr = _square_distance(new_xyz, xyz_t)
        _, idx = jax.lax.top_k(-sqr, nsample)
        grouped_xyz = _index_points(xyz_t, idx)
        grouped_xyz_norm = grouped_xyz - new_xyz[:, :, None, :]
        grouped_points = _index_points(points_t, idx)
        new_points = jnp.concatenate([grouped_xyz_norm, grouped_points], axis=-1)
        grouped_density = _index_points(inv_density[:, :, None], idx)
        S = npoint
    feat = jnp.transpose(new_points, (0, 3, 2, 1))
    for layer in p['mlp']:
        feat = _conv2d_bn(feat, layer, 'relu')
    inv_max = jnp.max(grouped_density, axis=2, keepdims=True)
    ds = jnp.transpose(grouped_density / inv_max, (0, 3, 2, 1))
    nlayers = len(p['density'])
    for i, layer in enumerate(p['density']):
        ds = _conv2d_bn(ds, layer, 'sigmoid' if i == nlayers - 1 else 'relu')
    feat = feat * ds
    w = jnp.transpose(grouped_xyz_norm, (0, 3, 2, 1))
    for layer in p['weight']:
        w = _conv2d_bn(w, layer, 'relu')
    a = jnp.transpose(feat, (0, 3, 1, 2))
    wb = jnp.transpose(w, (0, 3, 2, 1))
    out = jnp.matmul(a, wb).reshape(B, S, -1)
    out = out @ p['linear_W'] + p['linear_b']
    out = jnp.transpose(out, (0, 2, 1))
    out = jax.nn.relu(_bn1d(out, p['bn_g'], p['bn_b']))
    return jnp.transpose(new_xyz, (0, 2, 1)), out


def kernel(xyz, params):
    l0_xyz = xyz[:, :3, :]
    l0_points = xyz
    l1_xyz, l1_points = _sa_layer(l0_xyz, l0_points, params['sa1'], 128, 8, 0.1, False)
    l2_xyz, l2_points = _sa_layer(l1_xyz, l1_points, params['sa2'], 64, 16, 0.2, False)
    l3_xyz, l3_points = _sa_layer(l2_xyz, l2_points, params['sa3'], 1, None, 0.4, True)
    return l3_points.reshape(xyz.shape[0], 128)

# --- scband reference (transcript-rebuilt; emitter-appended) ---
"""Pipeline reference for scband-point-conv-84877143703813 (READ-ONLY COPY).

The authoritative reference and input builder live on the scoring server;
editing this copy changes nothing except your own understanding.
"""

import jax, jax.numpy as jnp
import numpy as np

EPS = 1e-5

def square_distance(src, dst):
    return (jnp.sum(src ** 2, -1)[:, :, None]
            - 2.0 * jnp.matmul(src, jnp.transpose(dst, (0, 2, 1)))
            + jnp.sum(dst ** 2, -1)[:, None, :])

def index_points(points, idx):
    return jax.vmap(lambda p, i: p[i])(points, idx)

def farthest_point_sample(xyz, npoint):
    xyz = jax.lax.stop_gradient(xyz)
    B, N, _ = xyz.shape
    def step(state, _):
        distance, farthest = state
        centroid = index_points(xyz, farthest[:, None])
        dist = jnp.sum((xyz - centroid) ** 2, axis=-1)
        distance = jnp.minimum(distance, dist)
        new_far = jnp.argmax(distance, axis=-1).astype(jnp.int32)
        return (distance, new_far), farthest
    init = (jnp.full((B, N), 1e10, xyz.dtype), jnp.zeros((B,), jnp.int32))
    _, cent = jax.lax.scan(step, init, None, length=npoint)
    return jnp.transpose(cent, (1, 0))

def knn_point(nsample, xyz, new_xyz):
    sqr = square_distance(new_xyz, xyz)
    _, idx = jax.lax.top_k(-sqr, nsample)
    return idx

def compute_density(xyz, bandwidth):
    sqr = square_distance(xyz, xyz)
    g = jnp.exp(-sqr / (2.0 * bandwidth * bandwidth)) / (2.5 * bandwidth)
    return jnp.mean(g, axis=-1)

def conv2d_bn(x, layer, act):
    W, b, g, bt = layer
    y = jnp.einsum('oc,bchw->bohw', W, x) + b[None, :, None, None]
    m = jnp.mean(y, axis=(0, 2, 3), keepdims=True)
    v = jnp.var(y, axis=(0, 2, 3), keepdims=True)
    y = (y - m) / jnp.sqrt(v + EPS) * g[None, :, None, None] + bt[None, :, None, None]
    return jax.nn.relu(y) if act == 'relu' else jax.nn.sigmoid(y)

def bn1d(x, g, b):
    m = jnp.mean(x, axis=(0, 2), keepdims=True)
    v = jnp.var(x, axis=(0, 2), keepdims=True)
    return (x - m) / jnp.sqrt(v + EPS) * g[None, :, None] + b[None, :, None]

def sa_forward(xyz, points, p, npoint, nsample, bandwidth, group_all):
    B = xyz.shape[0]
    N = xyz.shape[2]
    xyz_t = jnp.transpose(xyz, (0, 2, 1))
    points_t = jnp.transpose(points, (0, 2, 1))
    inv_density = 1.0 / compute_density(xyz_t, bandwidth)
    if group_all:
        new_xyz = jnp.zeros((B, 1, 3), xyz.dtype)
        grouped_xyz = xyz_t[:, None, :, :]
        new_points = jnp.concatenate([grouped_xyz, points_t[:, None, :, :]], axis=-1)
        grouped_xyz_norm = grouped_xyz
        grouped_density = inv_density.reshape(B, 1, N, 1)
        S = 1
    else:
        fps_idx = farthest_point_sample(xyz_t, npoint)
        new_xyz = index_points(xyz_t, fps_idx)
        idx = knn_point(nsample, xyz_t, new_xyz)
        grouped_xyz = index_points(xyz_t, idx)
        grouped_xyz_norm = grouped_xyz - new_xyz[:, :, None, :]
        grouped_points = index_points(points_t, idx)
        new_points = jnp.concatenate([grouped_xyz_norm, grouped_points], axis=-1)
        grouped_density = index_points(inv_density[:, :, None], idx)
        S = npoint
    feat = jnp.transpose(new_points, (0, 3, 2, 1))
    for layer in p['mlp']:
        feat = conv2d_bn(feat, layer, 'relu')
    inv_max = jnp.max(grouped_density, axis=2, keepdims=True)
    ds = jnp.transpose(grouped_density / inv_max, (0, 3, 2, 1))
    nlayers = len(p['density'])
    for i, layer in enumerate(p['density']):
        ds = conv2d_bn(ds, layer, 'sigmoid' if i == nlayers - 1 else 'relu')
    feat = feat * ds
    w = jnp.transpose(grouped_xyz_norm, (0, 3, 2, 1))
    for layer in p['weight']:
        w = conv2d_bn(w, layer, 'relu')
    a = jnp.transpose(feat, (0, 3, 1, 2))
    wb = jnp.transpose(w, (0, 3, 2, 1))
    out = jnp.matmul(a, wb).reshape(B, S, -1)
    out = out @ p['linear_W'] + p['linear_b']
    out = jnp.transpose(out, (0, 2, 1))
    out = jax.nn.relu(bn1d(out, p['bn_g'], p['bn_b']))
    return jnp.transpose(new_xyz, (0, 2, 1)), out

def pointconv_forward(xyz, params):
    l0_xyz = xyz[:, :3, :]
    l0_points = xyz
    l1_xyz, l1_points = sa_forward(l0_xyz, l0_points, params['sa1'], 128, 8, 0.1, False)
    l2_xyz, l2_points = sa_forward(l1_xyz, l1_points, params['sa2'], 64, 16, 0.2, False)
    l3_xyz, l3_points = sa_forward(l2_xyz, l2_points, params['sa3'], 1, None, 0.4, True)
    return l3_points.reshape(xyz.shape[0], 128)

def _conv_bn_params(key, cin, cout):
    k1, k2 = jax.random.split(key)
    W = jax.random.normal(k1, (cout, cin), dtype=jnp.float32) * (1.0 / np.sqrt(cin))
    b = jax.random.normal(k2, (cout,), dtype=jnp.float32) * 0.01
    return (W, b, jnp.ones((cout,), jnp.float32), jnp.zeros((cout,), jnp.float32))

def _sa_params(key, cin, cout):
    ks = jax.random.split(key, 9)
    return {
        'mlp': [_conv_bn_params(ks[0], cin, cout)],
        'weight': [_conv_bn_params(ks[1], 3, 8), _conv_bn_params(ks[2], 8, 8), _conv_bn_params(ks[3], 8, 16)],
        'density': [_conv_bn_params(ks[4], 1, 16), _conv_bn_params(ks[5], 16, 8), _conv_bn_params(ks[6], 8, 1)],
        'linear_W': jax.random.normal(ks[7], (16 * cout, cout), dtype=jnp.float32) * (1.0 / np.sqrt(16.0 * cout)),
        'linear_b': jax.random.normal(ks[8], (cout,), dtype=jnp.float32) * 0.01,
        'bn_g': jnp.ones((cout,), jnp.float32),
        'bn_b': jnp.zeros((cout,), jnp.float32),
    }

def setup_inputs(seed: int = 0):
    key = jax.random.key(seed)
    k1, k2, k3, k4 = jax.random.split(key, 4)
    xyz = jax.random.normal(k1, (8, 3, 2048), dtype=jnp.float32)
    params = {'sa1': _sa_params(k2, 6, 32), 'sa2': _sa_params(k3, 35, 64), 'sa3': _sa_params(k4, 67, 128)}
    return {'xyz': xyz, 'params': params}

def reference(xyz, params):
    return pointconv_forward(xyz, params)

if __name__ == "__main__":
    import jax
    _d = setup_inputs()
    print(jax.jit(kernel)(*tuple(_d.values())))

</pallas_src>

<mosaic_0001>
module attributes {stable_mosaic.version = 14 : i64} {
  func.func @_density_body(%arg0: i32, %arg1: i32, %arg2: memref<1x512x8xf32, #tpu.memory_space<vmem>>, %arg3: memref<1x2048x8xf32, #tpu.memory_space<vmem>>, %arg4: memref<1x1x512xf32, #tpu.memory_space<vmem>>) attributes {dimension_semantics = [#tpu.dimension_semantics<arbitrary>, #tpu.dimension_semantics<arbitrary>], iteration_bounds = array<i64: 8, 4>, scalar_prefetch = 0 : i64, scratch_operands = 0 : i64, tpu.core_type = #tpu.core_type<tc>, window_params = [{transform_indices = @transform_0, window_bounds = array<i64: 1, 512, 8>}, {transform_indices = @transform_1, window_bounds = array<i64: 1, 2048, 8>}, {transform_indices = @transform_2, window_bounds = array<i64: 1, 1, 512>}]} {
    %get3A = arith.constant 0 : index
    %get3A_0 = arith.constant 0 : index
    %get3A_1 = arith.constant 0 : index
    %get3A_2 = vector.load %arg2[%get3A, %get3A_0, %get3A_1] : memref<1x512x8xf32, #tpu.memory_space<vmem>>, vector<1x512x8xf32>
    %get3A_3 = vector.shape_cast %get3A_2 : vector<1x512x8xf32> to vector<512x8xf32>
    %get3A_4 = arith.constant 0 : index
    %get3A_5 = arith.constant 0 : index
    %get3A_6 = arith.constant 0 : index
    %get3A_7 = vector.load %arg3[%get3A_4, %get3A_5, %get3A_6] : memref<1x2048x8xf32, #tpu.memory_space<vmem>>, vector<1x2048x8xf32>
    %get3A_8 = vector.shape_cast %get3A_7 : vector<1x2048x8xf32> to vector<2048x8xf32>
    %convert_element_type3A = arith.truncf %get3A_3 : vector<512x8xf32> to vector<512x8xbf16>
    %convert_element_type3A_9 = arith.truncf %get3A_8 : vector<2048x8xf32> to vector<2048x8xbf16>
    %transpose3A = tpu.transpose %convert_element_type3A_9, [1, 0] : vector<2048x8xbf16> -> vector<8x2048xbf16>
    %dot_general3A = arith.constant dense<0.000000e+00> : vector<512x2048xf32>
    %dot_general3A_10 = tpu.matmul %convert_element_type3A, %transpose3A, %dot_general3A {dimension_numbers = #tpu.dot_dimension_numbers<[1], [0], [0], [1], [0, 0, 1, 1], [], []>, transpose_lhs_hint = false} : vector<512x8xbf16>, vector<8x2048xbf16>, vector<512x2048xf32> -> vector<512x2048xf32>
    %mul3A = arith.mulf %get3A_3, %get3A_3 : vector<512x8xf32>
    %reduce_sum3A = arith.constant dense<0.000000e+00> : vector<512xf32>
    %reduce_sum3A_11 = vector.multi_reduction <add>, %mul3A, %reduce_sum3A [1] : vector<512x8xf32> to vector<512xf32>
    %broadcast_in_dim3A = vector.shape_cast %reduce_sum3A_11 : vector<512xf32> to vector<512x1xf32>
    %mul3A_12 = arith.constant 2.000000e+00 : f32
    %mul3A_13 = vector.broadcast %mul3A_12 : f32 to vector<512x2048xf32>
    %mul3A_14 = arith.mulf %mul3A_13, %dot_general3A_10 : vector<512x2048xf32>
    %sub3A = vector.broadcast %broadcast_in_dim3A : vector<512x1xf32> to vector<512x2048xf32>
    %sub3A_15 = arith.subf %sub3A, %mul3A_14 : vector<512x2048xf32>
    %mul3A_16 = arith.mulf %get3A_8, %get3A_8 : vector<2048x8xf32>
    %reduce_sum3A_17 = arith.constant dense<0.000000e+00> : vector<2048xf32>
    %reduce_sum3A_18 = vector.multi_reduction <add>, %mul3A_16, %reduce_sum3A_17 [1] : vector<2048x8xf32> to vector<2048xf32>
    %broadcast_in_dim3A_19 = vector.shape_cast %reduce_sum3A_18 : vector<2048xf32> to vector<1x2048xf32>
    %add3A = vector.broadcast %broadcast_in_dim3A_19 : vector<1x2048xf32> to vector<512x2048xf32>
    %add3A_20 = arith.addf %sub3A_15, %add3A : vector<512x2048xf32>
    %mul3A_21 = arith.constant -5.000000e+01 : f32
    %mul3A_22 = vector.broadcast %mul3A_21 : f32 to vector<512x2048xf32>
    %mul3A_23 = arith.mulf %add3A_20, %mul3A_22 : vector<512x2048xf32>
    %exp3A = math.exp %mul3A_23 : vector<512x2048xf32>
    %reduce_sum3A_24 = arith.constant dense<0.000000e+00> : vector<512xf32>
    %reduce_sum3A_25 = vector.multi_reduction <add>, %exp3A, %reduce_sum3A_24 [1] : vector<512x2048xf32> to vector<512xf32>
    %mul3A_26 = arith.constant 0.001953125 : f32
    %mul3A_27 = vector.broadcast %mul3A_26 : f32 to vector<512xf32>
    %mul3A_28 = arith.mulf %reduce_sum3A_25, %mul3A_27 : vector<512xf32>
    %broadcast_in_dim3A_29 = vector.shape_cast %mul3A_28 : vector<512xf32> to vector<1x1x512xf32>
    %swap3A = arith.constant 0 : index
    %swap3A_30 = arith.constant 0 : index
    %swap3A_31 = arith.constant 0 : index
    %swap3A_32 = vector.load %arg4[%swap3A, %swap3A_30, %swap3A_31] : memref<1x1x512xf32, #tpu.memory_space<vmem>>, vector<1x1x512xf32>
    tpu.vector_store %arg4[%swap3A, %swap3A_30, %swap3A_31], %broadcast_in_dim3A_29 {strides = array<i32>} : memref<1x1x512xf32, #tpu.memory_space<vmem>>, vector<1x1x512xf32>,
    return
  }
  func.func @transform_0(%arg0: i32, %arg1: i32) -> (i32, i32, i32) {
    %c0_i32 = arith.constant 0 : i32
    %c0_i32_0 = arith.constant 0 : i32
    return %arg0, %arg1, %c0_i32 : i32, i32, i32
  }
  func.func @transform_1(%arg0: i32, %arg1: i32) -> (i32, i32, i32) {
    %c0_i32 = arith.constant 0 : i32
    %c0_i32_0 = arith.constant 0 : i32
    %c0_i32_1 = arith.constant 0 : i32
    return %arg0, %c0_i32, %c0_i32_0 : i32, i32, i32
  }
  func.func @transform_2(%arg0: i32, %arg1: i32) -> (i32, i32, i32) {
    %c0_i32 = arith.constant 0 : i32
    %c0_i32_0 = arith.constant 0 : i32
    return %arg0, %c0_i32, %arg1 : i32, i32, i32
  }
}

</mosaic_0001>

<sc_bundles>
// kernel: gather_offload_async_start.1
scs
__scs_entry_jumppad:
0x0: {  	(pc) =	sbr.rel $0x88, $3  }
0x1: {  	(tag) =	ssettag $0x0;
	lr =	simm.s32 $0x1  }
0x2: {  	[smem:$0x3F40] =	sst lr;
	_ =	strace $0xD0000000  }
0x3: {  	_ = 	snop  }
0x4: {  	_ = 	snop  }
0x5: {  	_ = 	snop  }
0x6: {  	_ = 	snop  }
0x7: {  	_ = 	snop  }
__scs_overlays_trampoline_lowered:
0x8: {  	[smem:$0x3F4F] =	sst s0  }
0x9: {  	[smem:$0x3F50] =	sst s1  }
0xa: {  	[smem:$0x3F51] =	sst s2  }
0xb: {  	[smem:$0x3F52] =	sst s3  }
0xc: {  	[smem:$0x3F53] =	sst s4  }
0xd: {  	[smem:$0x3F54] =	sst s5  }
0xe: {  	[smem:$0x3F55] =	sst s6  }
0xf: {  	[smem:$0x3F56] =	sst s7  }
0x10: {  	[smem:$0x3F57] =	sst s8  }
0x11: {  	[smem:$0x3F58] =	sst s9;
	s0 =	simm.s32 @!p0 $0x0  }
0x12: {  	s1 =	sld [smem:$0x3F3E];
	s0 =	simm.s32 @p0 $0x1  }
0x13: {  	[smem:$0x3F59] =	sst s0;
	s0 =	simm.s32 @!p1 $0x0  }
0x14: {  	s2 =	sld [smem:$0x3F3D];
	s0 =	simm.s32 @p1 $0x1  }
0x15: {  	[smem:$0x3F5A] =	sst s0;
	s0 =	simm.s32 @!p2 $0x0  }
0x16: {  	s3 =	sld [smem:$0x3FDB];
	s0 =	simm.s32 @p2 $0x1  }
0x17: {  	s4 =	simm.s32 $0x1BF5;
	[smem:$0x3F5C] =	sst s0  }
0x18: {  	s0 =	sld [smem:$0x3F3F];
	_ =	swait.ge [sflag:s4], $0x0  }
0x19: {  	s7 =	sld [smem:$0x3F40]  }
0x1a: {  	s8 =	sadd.s32 $0xFFFFE003, lr  }
0x1b: {  	s9 =	sadd.s32 $0xFFFFFEF7, lr;
	s5 =	simm.s32 $0xFFFFFFFF;
	p2 =	slt.u32 s8, $0xFFFFF086  }
0x1c: {  	p1 =	slt.u32 s9, $0xF7A;
	s5 =	simm.s32 @!p2 $0x0  }
0x1d: {  	s5 =	simm.s32 @p1 $0x1;
	p0 =	seq.s32 s7, s2  }
0x1e: {  	s7 =	smul.u32 @!p0 $0xF7A, s2;
	p2 =	seq.s32 @!p0 s5, $0x0  }
0x1f: {  	s9 =	smul.u32 $0xF7A, s1;
	s8 =	simm.s32 @!p0 $0x1BF5;
	p2 =	por !p2, p0  }
0x20: {  	[sflag:s8] =	ssyncset.s32 @!p0 $0xFFFFF086;
	s6 =	sadd.s32 @!p0 s3, s7;
	s7 =	simm.s32 @!p0 $0x108  }
0x21: {  	s3 =	sadd.s32 s3, s9;
	s6 =	sadd.s32 @!p0 $0x88, s6;
	s7 =	simm.s32 @p2 $0x1082  }
0x22: {  	[simem:s7], [sflag:s8] =	dma.local @!p0 [hbm:s6], $0xF7A  }
0x23: {  	s9 =	sor.u32 $0xD0000000, s2;
	s6 =	simm.s32 $0x108;
	_ =	swait.ge @!p0 [sflag:s8], $0x0  }
0x24: {  	s3 =	sadd.s32 $0x88, s3;
	s6 =	simm.s32 @!p1 $0x1082;
	[sflag:s4] =	ssyncset.s32 $0xFFFFF086  }
0x25: {  	[simem:s6], [sflag:s4] =	dma.local [hbm:s3], $0xF7A  }
0x26: {  	[smem:$0x3F40] =	sst s1;
	(tag) =	ssettag s2;
	_ =	strace s9  }
0x27: {  	s1 =	sld [smem:$0x3F50]  }
0x28: {  	s2 =	sld [smem:$0x3F51]  }
0x29: {  	s4 =	sld [smem:$0x3F53]  }
0x2a: {  	p0 =	seq.s32 s5, $0x0;
	s5 =	sld [smem:$0x3F54]  }
0x2b: {  	s6 =	sld [smem:$0x3F55]  }
0x2c: {  	s7 =	sld [smem:$0x3F56]  }
0x2d: {  	s3 =	simm.s32 $0x108;
	s8 =	sld [smem:$0x3F57]  }
0x2e: {  	s3 =	simm.s32 @!p0 $0x1082;
	s9 =	sld [smem:$0x3F58]  }
0x2f: {  	lr =	sadd.s32 s0, s3;
	s0 =	sld [smem:$0x3F4F]  }
0x30: {  	s3 =	sld [smem:$0x3F52]  }
0x31: {  	[smem:$0x3F5B] =	sst s10  }
0x32: {  	s10 =	sld [smem:$0x3F59];
	_ =	sdelay $0x3  }
0x33: {  	p0 =	seq.s32 s10, $0x1;
	s10 =	sld [smem:$0x3F5B];
	_ =	sdelay $0x3  }
0x34: {  	[smem:$0x3F5B] =	sst s10  }
0x35: {  	s10 =	sld [smem:$0x3F5A];
	_ =	sdelay $0x3  }
0x36: {  	p1 =	seq.s32 s10, $0x1;
	s10 =	sld [smem:$0x3F5B];
	_ =	sdelay $0x3  }
0x37: {  	[smem:$0x3F5B] =	sst s10  }
0x38: {  	s10 =	sld [smem:$0x3F5C]  }
0x39: {  	_ = 	snop;
	(pc) =	sbr.ind lr, $3  }
0x3a: {  	_ = 	snop  }
0x3b: {  	_ = 	snop  }
0x3c: {  	p2 =	seq.s32 s10, $0x1;
	s10 =	sld [smem:$0x3F5B]  }
0x3d: {  	_ =	shalt  }
0x3e: {  	_ =	shalt  }
0x3f: {  	_ =	shalt  }
0x40: {  	_ =	shalt  }
0x41: {  	_ =	shalt  }
0x42: {  	_ =	shalt  }
0x43: {  	_ =	shalt  }
0x44: {  	_ =	shalt  }
0x45: {  	_ =	shalt  }
0x46: {  	_ =	shalt  }
0x47: {  	_ =	shalt  }
0x48: {  	_ =	shalt  }
0x49: {  	_ =	shalt  }
0x4a: {  	_ =	shalt  }
0x4b: {  	_ =	shalt  }
0x4c: {  	_ =	shalt  }
0x4d: {  	_ =	shalt  }
0x4e: {  	_ =	shalt  }
0x4f: {  	_ =	shalt  }
0x50: {  	_ =	shalt  }
0x51: {  	_ =	shalt  }
0x52: {  	_ =	shalt  }
0x53: {  	_ =	shalt  }
0x54: {  	_ =	shalt  }
0x55: {  	_ =	shalt  }
0x56: {  	_ =	shalt  }
0x57: {  	_ =	shalt  }
0x58: {  	_ =	shalt  }
0x59: {  	_ =	shalt  }
0x5a: {  	_ =	shalt  }
0x5b: {  	_ =	shalt  }
0x5c: {  	_ =	shalt  }
0x5d: {  	_ =	shalt  }
0x5e: {  	_ =	shalt  }
0x5f: {  	_ =	shalt  }
0x60: {  	_ =	shalt  }
0x61: {  	_ =	shalt  }
0x62: {  	_ =	shalt  }
0x63: {  	_ =	shalt  }
0x64: {  	_ =	shalt  }
0x65: {  	_ =	shalt  }
0x66: {  	_ =	shalt  }
0x67: {  	_ =	shalt  }
0x68: {  	_ =	shalt  }
0x69: {  	_ =	shalt  }
0x6a: {  	_ =	shalt  }
0x6b: {  	_ =	shalt  }
0x6c: {  	_ =	shalt  }
0x6d: {  	_ =	shalt  }
0x6e: {  	_ =	shalt  }
0x6f: {  	_ =	shalt  }
0x70: {  	_ =	shalt  }
0x71: {  	_ =	shalt  }
0x72: {  	_ =	shalt  }
0x73: {  	_ =	shalt  }
0x74: {  	_ =	shalt  }
0x75: {  	_ =	shalt  }
0x76: {  	_ =	shalt  }
0x77: {  	_ =	shalt  }
0x78: {  	_ =	shalt  }
0x79: {  	_ =	shalt  }
0x7a: {  	_ =	shalt  }
0x7b: {  	_ =	shalt  }
0x7c: {  	_ =	shalt  }
0x7d: {  	_ =	shalt  }
0x7e: {  	_ =	shalt  }
0x7f: {  	_ =	shalt  }
0x80: {  	_ =	shalt  }
0x81: {  	_ =	shalt  }
0x82: {  	_ =	shalt  }
0x83: {  	_ =	shalt  }
0x84: {  	_ =	shalt  }
0x85: {  	_ =	shalt  }
0x86: {  	_ =	shalt  }
0x87: {  	_ =	shalt  }
.Lfunc_end0:
.L_simem_size_0:
called_computation.1_lowered:
.L_overlay_start_0:
0x88: {  	s2 =	sld [smem:$0x3FD9]  }
0x89: {  	s3 =	sld [smem:$0x3FFE];
	_ =	sdelay $0x1  }
0x8a: {  	s1 =	srdreg.scid  }
0x8b: {  	s0 =	sand.u32 $0x1, s1  }
0x8c: {  	s16 =	sshll.u32 s0, $0xA;
	s2 =	sadd.s32 s3, s2  }
0x8d: {  	s2 =	sadd.s32 s2, s16  }
0x8e: {  	[smem:$0x3F67] =	sst s2  }
0x8f: {  	_ = 	snop  }
0x90: {  	(tm) =	ssettm $0x1  }
0x91: {  	s17 =	sld [smem:$0x3FFB];
	_ =	sdelay $0x3  }
0x92: {  	_ =	strace s17  }
0x93: {  	s2 =	sld [smem:$0x3FFC];
	_ =	sdelay $0x3  }
0x94: {  	_ =	strace s2  }
0x95: {  	s2 =	sld [smem:$0x3FFD];
	_ =	sdelay $0x3  }
0x96: {  	_ =	strace s2  }
0x97: {  	_ =	strace $0x8FFFFFFF  }
0x98: {  	s18 =	sld [smem:$0x3FDB];
	_ =	sdelay $0x1  }
0x99: {  	s19 =	simm.s32 $_scs_section_size  }
0x9a: {  	s4 =	simm.s32 $_size__tile_overlayer_lowered;
	s5 =	simm.s32 $_tile_overlayer_lowered  }
0x9b: {  	s22 =	simm.s32 $0x1BFF;
	s21 =	sshll.u32 s5, $0x1;
	s2 =	sadd.s32 s19, s18  }
0x9c: {  	s6 =	simm.s32 $0x0;
	s20 =	sshll.u32 s4, $0x1;
	s4 =	sadd.s32 s21, s2  }
0x9d: {  	[timem:s6], [sflag:s22] =	dma.local [hbm:s4], s20  }
0x9e: {  	_ =	swait.ge [sflag:s22], s20  }
0x9f: {  	s3 =	ssub.s32 $0x0, s20;
	[sflag:s22] =	ssyncset.done $0x0  }
0xa0: {  	[sflag:s22] =	ssyncadd.s32 s3;
	_ =	sdelay $0x1  }
0xa1: {  	s23 =	simm.s32 $0x1B8B  }
0xa2: {  	_ =	swait.ge [sflag:s23], $0x1  }
0xa3: {  	[sflag:s23] =	ssyncset.done $0x0  }
0xa4: {  	s25 =	simm.s32 $0x1B8E;
	s24 =	sld [smem:$0x3FFE];
	[sflag:s23] =	ssyncadd.s32 $0xFFFFFFFF  }
0xa5: {  	s26 =	simm.s32 $execute0_lowered;
	[smem:$0x3FD2] =	sst s25  }
0xa6: {  	s4 =	sshll.u32 s26, $0x1;
	_ =	strace $0x80000046;
	[dreg:$0x1] =	wrdreg $0xFFFFFFFF  }
0xa7: {  	s28 =	simm.s32 $_size_execute0_lowered;
	s2 =	sadd.s32 s2, s4;
	[dreg:$0x0] =	wrdreg $0x0  }
0xa8: {  	s4 =	sshll.u32 s28, $0x1;
	[dreg:$0x2] =	wrdreg s2  }
0xa9: {  	[dreg:$0x3] =	wrdreg s4  }
0xaa: {  	[dreg:$0x4] =	wrdreg $0xC0  }
0xab: {  	_ =	task [dreg:s6], $0x5FFFF  }
0xac: {  	[dreg:$0x1] =	wrdreg $0xFFFFFFFF  }
0xad: {  	[dreg:$0x0] =	wrdreg $0x60  }
0xae: {  	[dreg:$0x2] =	wrdreg s24  }
0xaf: {  	[dreg:$0x3] =	wrdreg $0x9  }
0xb0: {  	_ =	task.clear_ibuf [dreg:s6], $0x4FFFF;
	_ =	strace $0x90000046  }
0xb1: {  	s29 =	simm.s32 $0x9;
	_ =	strace $0x80000048  }
0xb2: {  	_ =	swait.ge [sflag:s29], $0x1  }
0xb3: {  	[sflag:s29] =	ssyncadd.s32 $0xFFFFFFFF  }
0xb4: {  	_ =	strace $0x90000048  }
0xb5: {  	_ =	sfence  }
0xb6: {  	s30 =	sld [smem:$0x0];
	_ =	sdelay $0x2  }
0xb7: {  	s31 =	sshll.u32 s1, $0xD;
	s1 =	sshrl.u32 s1, $0x2  }
0xb8: {  	s3 =	sand.u32 $0x4000, s31;
	s1 =	sadd.s32 s1, s30  }
0xb9: {  	s0 =	sor.u32 s3, s0;
	s1 =	sshll.u32 s1, $0x11  }
0xba: {  	s0 =	sor.u32 s1, s0  }
0xbb: {  	s0 =	sadd.s32 $0x8F2B, s0  }
0xbc: {  	[sflag:s0] =	ssyncadd.remote.s32 $0x1  }
0xbd: {  	_ =	sfence.sel $0xFFFF  }
0xbe: {  	[dreg:$0x0] =	wrdreg $0xFFFFFFFF;
	(pc) =	sbr.abs _section_cstart, $3  }
0xbf: {  	[dreg:$0x1] =	wrdreg $0xFFFFFFFF  }
0xc0: {  	_ =	task.clear_ibuf [dreg:s6], $0x2FFFF;
	_ =	strace $0x9FFFFFFF  }
0xc1: {  	(tm) =	ssettm $0x7FFFFFFF  }
tec
execute0_lowered:
.L_overlay_start_1:
0x0: {  	(tag) =	ssettag $0x1  }
0x1: {  	s0 =	srdreg.scid;
	s5 =	rddreg [dreg:$0x0]  }
0x2: {  	s1 =	stileid.u32;
	s6 =	simm.s32 $0x1;
	s9 =	simm.s32 $0x1  }
0x3: {  	s10 =	simm.s32 $0x3;
	s13 =	simm.s32 $0x0;
	s2 =	sshll.u32 s0, $0x7  }
0x4: {  	s12 =	simm.s32 $0x0;
	s3 =	sshll.u32 s1, $0x8;
	s2 =	sand.u32 $0x80, s2  }
0x5: {  	s0 =	rddreg [dreg:$0x1];
	_ =	strace $0x80000047;
	s2 =	sor.u32 s3, s2  }
0x6: {  	s4 =	sadd.s32 $0x43800, s5;
	[sflag:s6] =	ssyncpa.u1 $0x0;
	s8 =	ssub.s32 $0x2000, s2  }
.Ltmp0:
0x7: {  	s3 =	sadd.s32 $0x43E00, s5;
	s7 =	sand.u32 $0xF80, s8;
	(pc) =	sbr.rel .LBB2_1-.Ltmp0, $4  }
0x8: {  	s5 =	sadd.s32 $0x43200, s5;
	s11 =	smov.u32 s2;
	p0 =	sne.s32 s7, $0x0  }
0x9: {  	s8 =	sshrl.u32 s8, $0xC;
	s7 =	simm.s32 $0x2;
	s9 =	simm.s32 @!p0 $0x0  }
0xa: {  	[sflag:s7] =	ssyncpa.u1 $0x0;
	p0 =	por $0x0, $0x0;
	s8 =	sadd.s32 s9, s8  }
0xb: {  	vm0 =	vmmov $0xffff;
	[sflag:s10] =	ssyncpa.u1 $0x0;
	s10 =	simm.s32 $0x0;
	s9 =	sadd.s32 $0x1, s8  }
.LBB2_4:
0xc: {  	v5 =	vld.msk [tilespmem:s18+$0x0 ss:$0x1], $0xffff  }
0xd: {  	v6 =	vand.u32 $0x7, v1;
	v7 =	vshrl.u32 v1, $0x3  }
0xe: {  	v3 =	vor.u32 v4, v3;
	vm1 =	veq.s32 v1, $0x80000000;
	v53 =	vand.u32 $0x7FF, v7  }
0xf: {  	v2 =	vor.u32 v2, v3;
	v54 =	vsel vm1, $0xFFFFFFFF, v6;
	v1 =	vsel vm1, $0xFFFFFFFF, v53  }
0x10: {  	v6 =	vshll.u32 v54, $0x7;
	v3 =	vand.u32 $0xFFFFC000, v54;
	v55 =	vand.u32 $0x7F, v1  }
0x11: {  	v1 =	vshll.u32 v1, $0x3;
	v6 =	vand.u32 $0x380, v6;
	v56 =	vshrl.u32 v5, $0x3  }
0x12: {  	v1 =	vand.u32 $0xFFFFFC00, v1;
	vm1 =	veq.s32 v5, $0x80000000;
	v57 =	vand.u32 $0x7FF, v56  }
0x13: {  	v1 =	vadd.s32 v3, v1;
	v5 =	vand.u32 $0x7, v5;
	v3 =	vsel vm1, $0xFFFFFFFF, v57  }
0x14: {  	v1 =	vor.u32 v6, v1;
	v5 =	vsel vm1, $0xFFFFFFFF, v5;
	v58 =	vshll.u32 v3, $0x3  }
0x15: {  	v59 =	vshll.u32 v5, $0x7;
	v5 =	vand.u32 $0xFFFFC000, v5;
	v6 =	vand.u32 $0xFFFFFC00, v58  }
0x16: {  	v1 =	vor.u32 v55, v1;
	v61 =	vand.u32 $0x380, v59;
	v60 =	vadd.s32 v5, v6  }
0x17: {  	[tilespmem:s16], [sflag:$0x1] =	stream.indirect_vreg.gather [hbm4b:s3+s10], $0x1, v0, vm0, $0x4038;
	v62 =	vand.u32 $0x7F, v3;
	v63 =	vor.u32 v61, v60;
	[tilespmem:$0x200] =	vst v63  }
0x18: {  	(ifvalue) =	ssetifvalue $0x7FFFFFFF;
	v0 =	vor.u32 v62, v63  }
0x19: {  	[tilespmem:s15], [sflag:$0x1] =	stream.indirect_vreg.gather [hbm4b:s3+s10], $0x1, v2, vm0, $0x4038;
	[tilespmem:$0x200] =	vst v63  }
0x1a: {  	s29 =	sadd.s32 $0x10, s15;
	(ifvalue) =	ssetifvalue $0x7FFFFFFF  }
0x1b: {  	[tilespmem:s29], [sflag:$0x1] =	stream.indirect_vreg.gather [hbm4b:s3+s10], $0x1, v1, vm0, $0x4038;
	[tilespmem:$0x200] =	vst v63  }
0x1c: {  	s15 =	sadd.s32 $0x10, s29;
	(ifvalue) =	ssetifvalue $0x7FFFFFFF  }
0x1d: {  	[tilespmem:s15], [sflag:$0x1] =	stream.indirect_vreg.gather [hbm4b:s3+s10], $0x1, v0, vm0, $0x4038;
	[tilespmem:$0x200] =	vst v63  }
0x1e: {  	_ =	swait.ge [sflag:s6], $0x80  }
0x1f: {  	s30 =	sshrl.u32 s13, $0x3;
	[sflag:s6] =	ssyncset.done $0x0  }
0x20: {  	s31 =	sand.u32 $0x7, s13;
	s15 =	sadd.s32 s5, s30;
	[sflag:s6] =	ssyncadd.s32 $0xFFFFFF80  }
0x21: {  	[hbm4b:s15+s31] =	stream.linear.scatter [tilespmem:s14], [sflag:$0x3], $0x80, $0x38;
	[tilespmem:$0x200] =	vst v63  }
.LBB2_5:
0x22: {  	s15 =	sadd.s32 $0x1000, s11  }
0x23: {  	p2 =	sgt.s32 s15, $0x1FFF  }
0x24: {  	s15 =	smov.u32 @p2 s2;
	p2 =	sne.s32 s12, s9  }
.Ltmp1:
0x25: {  	p1 =	slt.u32 s12, $0x2;
	(pc) =	sbr.rel @!p2 .LBB2_6-.Ltmp1, $4  }
0x26: {  	s14 =	simm.s32 @!p1 $0x3  }
0x27: {  	s16 =	sadd.s32 $0x1, s12;
	_ =	swait.ge @!p1 [sflag:s14], $0x80  }
0x28: {  	s13 =	smov.u32 s11;
	p0 =	por !p0, !p0;
	[sflag:s14] =	ssyncset.done @!p1 $0x0  }
0x29: {  	s12 =	smov.u32 s16;
	s11 =	smov.u32 s15;
	[sflag:s14] =	ssyncadd.s32 @!p1 $0xFFFFFF80  }
.LBB2_1:
0x2a: {  	p1 =	sge.u32 s12, s8  }
0x2b: {  	s14 =	sxor.u32 @!p1 $0xFFFFFFFF, s12  }
0x2c: {  	s31 =	sadd.s32 $0xFFFFFFFF, s12;
	s15 =	sshrl.u32 @!p1 s11, $0x3;
	s14 =	sshll.u32 @!p1 s14, $0x7  }
0x2d: {  	s16 =	sand.u32 @!p1 $0x7, s11;
	s15 =	sadd.s32 @!p1 s4, s15;
	s14 =	sand.u32 @!p1 $0x80, s14  }
0x2e: {  	[tilespmem:s14], [sflag:$0x2] =	stream.linear.gather @!p1 [hbm4b:s15+s16], $0x80, $0x38;
	[tilespmem:$0x200] =	vst v63  }
0x2f: {  	p1 =	sge.u32 s31, s8  }
.Ltmp2:
0x30: {  	_ = 	snop;
	(pc) =	sbr.rel @p1 .LBB2_5-.Ltmp2, $1  }
0x31: {  	_ =	sdelay $0x3  }
0x32: {  	s14 =	simm.s32 $0x1  }
0x33: {  	_ =	swait.ge [sflag:s7], $0x80;
	s14 =	simm.s32 @!p0 $0x0  }
0x34: {  	[sflag:s7] =	ssyncset.done $0x0;
	s14 =	sshll.u32 s14, $0x7  }
0x35: {  	[sflag:s7] =	ssyncadd.s32 $0xFFFFFF80;
	(ifvalue) =	ssetifvalue $0x7FFFFFFF;
	v0 =	vld.msk [tilespmem:s14+$0x0 ss:$0x1], $0xffff;
	_ =	sdelay $0x4  }
0x36: {  	s15 =	sadd.s32 $0x10, s14;
	v2 =	vshrl.u32 v0, $0x3  }
0x37: {  	v1 =	vld.msk [tilespmem:s15+$0x0 ss:$0x1], $0xffff;
	vm1 =	veq.s32 v0, $0x80000000;
	v2 =	vand.u32 $0x7FF, v2  }
0x38: {  	v0 =	vand.u32 $0x7, v0;
	v2 =	vsel vm1, $0xFFFFFFFF, v2  }
0x39: {  	v0 =	vsel vm1, $0xFFFFFFFF, v0;
	v3 =	vshll.u32 v2, $0x3  }
0x3a: {  	v4 =	vand.u32 $0xFFFFC000, v0;
	v0 =	vshll.u32 v0, $0x7;
	v3 =	vand.u32 $0xFFFFFC00, v3  }
0x3b: {  	v0 =	vand.u32 $0x380, v0;
	v3 =	vadd.s32 v4, v3  }
0x3c: {  	v2 =	vand.u32 $0x7F, v2;
	v4 =	vshrl.u32 v1, $0x3;
	v0 =	vor.u32 v0, v3  }
0x3d: {  	vm1 =	veq.s32 v1, $0x80000000;
	v4 =	vand.u32 $0x7FF, v4;
	v0 =	vor.u32 v2, v0  }
0x3e: {  	s16 =	sshll.u32 s12, $0x7;
	s15 =	sadd.s32 $0x10, s15;
	v1 =	vand.u32 $0x7, v1;
	v3 =	vsel vm1, $0xFFFFFFFF, v4  }
0x3f: {  	s17 =	sand.u32 $0x80, s16;
	v2 =	vsel vm1, $0xFFFFFFFF, v1;
	v1 =	vld.msk [tilespmem:s15+$0x0 ss:$0x1], $0xffff;
	v4 =	vshll.u32 v3, $0x3  }
0x40: {  	s16 =	sor.u32 $0x100, s14;
	s14 =	sor.u32 $0x100, s17;
	s17 =	simm.s32 $0x30;
	v5 =	vshll.u32 v2, $0x7;
	v6 =	vand.u32 $0xFFFFC000, v2;
	v4 =	vand.u32 $0xFFFFFC00, v4  }
0x41: {  	s18 =	sadd.s32 $0x10, s15;
	(ifvalue) =	ssetifvalue $0x7FFFFFFF;
	s15 =	sadd.s32 $0x10, s16;
	v2 =	vand.u32 $0x7F, v3;
	v3 =	vadd.s32 v6, v4;
	v4 =	vand.u32 $0x380, v5  }
.LBB2_3:
0x42: {  	[tilespmem:s16], [sflag:$0x1] =	stream.indirect_vreg.gather [hbm4b:s3+s10], $0x1, v0, vm0, $0x4038;
	[tilespmem:$0x200] =	vst v63  }
0x43: {  	s17 =	sadd.s32 $0x10, s17  }
0x44: {  	v5 =	vand.u32 $0x7, v1;
	v6 =	vshrl.u32 v1, $0x3;
	v3 =	vor.u32 v4, v3;
	v0 =	vmovc v1;
	v1 =	vld.msk [tilespmem:s18+$0x0 ss:$0x1], $0xffff;
	p1 =	slt.u32 s17, $0x70  }
.Ltmp3:
0x45: {  	s16 =	smov.u32 s15;
	vm1 =	veq.s32 v0, $0x80000000;
	v4 =	vand.u32 $0x7FF, v6;
	v0 =	vor.u32 v2, v3;
	(pc) =	sbr.rel @p1 .LBB2_3-.Ltmp3, $4  }
0x46: {  	v3 =	vsel vm1, $0xFFFFFFFF, v5;
	v4 =	vsel vm1, $0xFFFFFFFF, v4  }
0x47: {  	v2 =	vand.u32 $0x7F, v4;
	v4 =	vshll.u32 v4, $0x3;
	v5 =	vshll.u32 v3, $0x7  }
0x48: {  	v3 =	vand.u32 $0xFFFFC000, v3;
	v4 =	vand.u32 $0xFFFFFC00, v4  }
0x49: {  	s18 =	sadd.s32 $0x10, s18;
	s15 =	sadd.s32 $0x10, s15;
	v3 =	vadd.s32 v3, v4;
	v4 =	vand.u32 $0x380, v5;
	(ifvalue) =	ssetifvalue $0x7FFFFFFF  }
.Ltmp4:
0x4a: {  	_ = 	snop;
	(pc) =	sbr.rel .LBB2_4-.Ltmp4, $1  }
0x4b: {  	_ =	sdelay $0x3  }
.LBB2_6:
0x4c: {  	_ =	sfence.sel $0x180000  }
0x4d: {  	s2 =	simm.s32 $0x2;
	[bflag:$0x0] =	sbarrier.arrive $0xFFFF  }
0x4e: {  	s30 =	simm.s32 $0x3;
	[sflag:s2] =	ssyncpa.u1 $0x1  }
0x4f: {  	s31 =	simm.s32 $0x1;
	[sflag:s30] =	ssyncpa.u1 $0x1  }
0x50: {  	[sflag:s31] =	ssyncpa.u1 $0x1  }
0x51: {  	p0 =	sne.s32 s1, $0x0;
	_ =	strace $0x90000047  }
0x52: {  	s0 =	sadd.s32 @!p0 $0x100000, s0;
	[bflag:$0x2] =	sbarrier.arrive $0xFFFF  }
0x53: {  	[sflag:s0] =	ssyncadd.tile.s32 @!p0 $0x1;
	_ =	shalt  }
.Lfunc_end2:
_tile_overlayer_lowered:
.L_overlay_start_2:
0x54: {  	(tag) =	ssettag $0x2  }
0x55: {  	s0 =	rddreg [dreg:$0x0];
	s2 =	stileid.u32  }
0x56: {  	s1 =	rddreg [dreg:$0x1];
	p0 =	sne.s32 s2, $0x0  }
0x57: {  	s3 =	rddreg [dreg:$0x2];
	[bflag:$0x3] =	sbarrier.arrive $0xFFFF;
	s2 =	simm.s32 @!p0 $0x1C01  }
0x58: {  	[timem:s3], [sflag:s2] =	dma.local @!p0 [hbm:s0], s1  }
0x59: {  	s0 =	simm.s32 @!p0 $0x1  }
0x5a: {  	_ =	swait.ge @!p0 [sflag:s0], s1  }
0x5b: {  	s1 =	ssub.s32 @!p0 $0x0, s1;
	[sflag:s0] =	ssyncset.done @!p0 $0x0  }
0x5c: {  	[sflag:s0] =	ssyncadd.s32 @!p0 s1  }
0x5d: {  	[bflag:$0x3] =	sbarrier.arrive $0xFFFF  }
0x5e: {  	_ =	shalt  }

// kernel: gather_offload_async_start
scs
__scs_entry_jumppad:
0x0: {  	(pc) =	sbr.rel $0x88, $3  }
0x1: {  	(tag) =	ssettag $0x0;
	lr =	simm.s32 $0x1  }
0x2: {  	[smem:$0x3F40] =	sst lr;
	_ =	strace $0xD0000000  }
0x3: {  	_ = 	snop  }
0x4: {  	_ = 	snop  }
0x5: {  	_ = 	snop  }
0x6: {  	_ = 	snop  }
0x7: {  	_ = 	snop  }
__scs_overlays_trampoline_lowered:
0x8: {  	[smem:$0x3F4F] =	sst s0  }
0x9: {  	[smem:$0x3F50] =	sst s1  }
0xa: {  	[smem:$0x3F51] =	sst s2  }
0xb: {  	[smem:$0x3F52] =	sst s3  }
0xc: {  	[smem:$0x3F53] =	sst s4  }
0xd: {  	[smem:$0x3F54] =	sst s5  }
0xe: {  	[smem:$0x3F55] =	sst s6  }
0xf: {  	[smem:$0x3F56] =	sst s7  }
0x10: {  	[smem:$0x3F57] =	sst s8  }
0x11: {  	[smem:$0x3F58] =	sst s9;
	s0 =	simm.s32 @!p0 $0x0  }
0x12: {  	s1 =	sld [smem:$0x3F3E];
	s0 =	simm.s32 @p0 $0x1  }
0x13: {  	[smem:$0x3F59] =	sst s0;
	s0 =	simm.s32 @!p1 $0x0  }
0x14: {  	s2 =	sld [smem:$0x3F3D];
	s0 =	simm.s32 @p1 $0x1  }
0x15: {  	[smem:$0x3F5A] =	sst s0;
	s0 =	simm.s32 @!p2 $0x0  }
0x16: {  	s3 =	sld [smem:$0x3FDB];
	s0 =	simm.s32 @p2 $0x1  }
0x17: {  	s4 =	simm.s32 $0x1BF5;
	[smem:$0x3F5C] =	sst s0  }
0x18: {  	s0 =	sld [smem:$0x3F3F];
	_ =	swait.ge [sflag:s4], $0x0  }
0x19: {  	s7 =	sld [smem:$0x3F40]  }
0x1a: {  	s8 =	sadd.s32 $0xFFFFE003, lr  }
0x1b: {  	s9 =	sadd.s32 $0xFFFFFEF7, lr;
	s5 =	simm.s32 $0xFFFFFFFF;
	p2 =	slt.u32 s8, $0xFFFFF086  }
0x1c: {  	p1 =	slt.u32 s9, $0xF7A;
	s5 =	simm.s32 @!p2 $0x0  }
0x1d: {  	s5 =	simm.s32 @p1 $0x1;
	p0 =	seq.s32 s7, s2  }
0x1e: {  	s7 =	smul.u32 @!p0 $0xF7A, s2;
	p2 =	seq.s32 @!p0 s5, $0x0  }
0x1f: {  	s9 =	smul.u32 $0xF7A, s1;
	s8 =	simm.s32 @!p0 $0x1BF5;
	p2 =	por !p2, p0  }
0x20: {  	[sflag:s8] =	ssyncset.s32 @!p0 $0xFFFFF086;
	s6 =	sadd.s32 @!p0 s3, s7;
	s7 =	simm.s32 @!p0 $0x108  }
0x21: {  	s3 =	sadd.s32 s3, s9;
	s6 =	sadd.s32 @!p0 $0x88, s6;
	s7 =	simm.s32 @p2 $0x1082  }
0x22: {  	[simem:s7], [sflag:s8] =	dma.local @!p0 [hbm:s6], $0xF7A  }
0x23: {  	s9 =	sor.u32 $0xD0000000, s2;
	s6 =	simm.s32 $0x108;
	_ =	swait.ge @!p0 [sflag:s8], $0x0  }
0x24: {  	s3 =	sadd.s32 $0x88, s3;
	s6 =	simm.s32 @!p1 $0x1082;
	[sflag:s4] =	ssyncset.s32 $0xFFFFF086  }
0x25: {  	[simem:s6], [sflag:s4] =	dma.local [hbm:s3], $0xF7A  }
0x26: {  	[smem:$0x3F40] =	sst s1;
	(tag) =	ssettag s2;
	_ =	strace s9  }
0x27: {  	s1 =	sld [smem:$0x3F50]  }
0x28: {  	s2 =	sld [smem:$0x3F51]  }
0x29: {  	s4 =	sld [smem:$0x3F53]  }
0x2a: {  	p0 =	seq.s32 s5, $0x0;
	s5 =	sld [smem:$0x3F54]  }
0x2b: {  	s6 =	sld [smem:$0x3F55]  }
0x2c: {  	s7 =	sld [smem:$0x3F56]  }
0x2d: {  	s3 =	simm.s32 $0x108;
	s8 =	sld [smem:$0x3F57]  }
0x2e: {  	s3 =	simm.s32 @!p0 $0x1082;
	s9 =	sld [smem:$0x3F58]  }
0x2f: {  	lr =	sadd.s32 s0, s3;
	s0 =	sld [smem:$0x3F4F]  }
0x30: {  	s3 =	sld [smem:$0x3F52]  }
0x31: {  	[smem:$0x3F5B] =	sst s10  }
0x32: {  	s10 =	sld [smem:$0x3F59];
	_ =	sdelay $0x3  }
0x33: {  	p0 =	seq.s32 s10, $0x1;
	s10 =	sld [smem:$0x3F5B];
	_ =	sdelay $0x3  }
0x34: {  	[smem:$0x3F5B] =	sst s10  }
0x35: {  	s10 =	sld [smem:$0x3F5A];
	_ =	sdelay $0x3  }
0x36: {  	p1 =	seq.s32 s10, $0x1;
	s10 =	sld [smem:$0x3F5B];
	_ =	sdelay $0x3  }
0x37: {  	[smem:$0x3F5B] =	sst s10  }
0x38: {  	s10 =	sld [smem:$0x3F5C]  }
0x39: {  	_ = 	snop;
	(pc) =	sbr.ind lr, $3  }
0x3a: {  	_ = 	snop  }
0x3b: {  	_ = 	snop  }
0x3c: {  	p2 =	seq.s32 s10, $0x1;
	s10 =	sld [smem:$0x3F5B]  }
0x3d: {  	_ =	shalt  }
0x3e: {  	_ =	shalt  }
0x3f: {  	_ =	shalt  }
0x40: {  	_ =	shalt  }
0x41: {  	_ =	shalt  }
0x42: {  	_ =	shalt  }
0x43: {  	_ =	shalt  }
0x44: {  	_ =	shalt  }
0x45: {  	_ =	shalt  }
0x46: {  	_ =	shalt  }
0x47: {  	_ =	shalt  }
0x48: {  	_ =	shalt  }
0x49: {  	_ =	shalt  }
0x4a: {  	_ =	shalt  }
0x4b: {  	_ =	shalt  }
0x4c: {  	_ =	shalt  }
0x4d: {  	_ =	shalt  }
0x4e: {  	_ =	shalt  }
0x4f: {  	_ =	shalt  }
0x50: {  	_ =	shalt  }
0x51: {  	_ =	shalt  }
0x52: {  	_ =	shalt  }
0x53: {  	_ =	shalt  }
0x54: {  	_ =	shalt  }
0x55: {  	_ =	shalt  }
0x56: {  	_ =	shalt  }
0x57: {  	_ =	shalt  }
0x58: {  	_ =	shalt  }
0x59: {  	_ =	shalt  }
0x5a: {  	_ =	shalt  }
0x5b: {  	_ =	shalt  }
0x5c: {  	_ =	shalt  }
0x5d: {  	_ =	shalt  }
0x5e: {  	_ =	shalt  }
0x5f: {  	_ =	shalt  }
0x60: {  	_ =	shalt  }
0x61: {  	_ =	shalt  }
0x62: {  	_ =	shalt  }
0x63: {  	_ =	shalt  }
0x64: {  	_ =	shalt  }
0x65: {  	_ =	shalt  }
0x66: {  	_ =	shalt  }
0x67: {  	_ =	shalt  }
0x68: {  	_ =	shalt  }
0x69: {  	_ =	shalt  }
0x6a: {  	_ =	shalt  }
0x6b: {  	_ =	shalt  }
0x6c: {  	_ =	shalt  }
0x6d: {  	_ =	shalt  }
0x6e: {  	_ =	shalt  }
0x6f: {  	_ =	shalt  }
0x70: {  	_ =	shalt  }
0x71: {  	_ =	shalt  }
0x72: {  	_ =	shalt  }
0x73: {  	_ =	shalt  }
0x74: {  	_ =	shalt  }
0x75: {  	_ =	shalt  }
0x76: {  	_ =	shalt  }
0x77: {  	_ =	shalt  }
0x78: {  	_ =	shalt  }
0x79: {  	_ =	shalt  }
0x7a: {  	_ =	shalt  }
0x7b: {  	_ =	shalt  }
0x7c: {  	_ =	shalt  }
0x7d: {  	_ =	shalt  }
0x7e: {  	_ =	shalt  }
0x7f: {  	_ =	shalt  }
0x80: {  	_ =	shalt  }
0x81: {  	_ =	shalt  }
0x82: {  	_ =	shalt  }
0x83: {  	_ =	shalt  }
0x84: {  	_ =	shalt  }
0x85: {  	_ =	shalt  }
0x86: {  	_ =	shalt  }
0x87: {  	_ =	shalt  }
.Lfunc_end0:
.L_simem_size_0:
called_computation_lowered:
.L_overlay_start_0:
0x88: {  	s2 =	sld [smem:$0x3FD9]  }
0x89: {  	s3 =	sld [smem:$0x3FFE];
	_ =	sdelay $0x1  }
0x8a: {  	s1 =	srdreg.scid  }
0x8b: {  	s0 =	sand.u32 $0x1, s1  }
0x8c: {  	s16 =	sshll.u32 s0, $0xA;
	s2 =	sadd.s32 s3, s2  }
0x8d: {  	s2 =	sadd.s32 s2, s16  }
0x8e: {  	[smem:$0x3F67] =	sst s2  }
0x8f: {  	_ = 	snop  }
0x90: {  	(tm) =	ssettm $0x1  }
0x91: {  	s17 =	sld [smem:$0x3FFB];
	_ =	sdelay $0x3  }
0x92: {  	_ =	strace s17  }
0x93: {  	s2 =	sld [smem:$0x3FFC];
	_ =	sdelay $0x3  }
0x94: {  	_ =	strace s2  }
0x95: {  	s2 =	sld [smem:$0x3FFD];
	_ =	sdelay $0x3  }
0x96: {  	_ =	strace s2  }
0x97: {  	_ =	strace $0x8FFFFFFF  }
0x98: {  	s18 =	sld [smem:$0x3FDB];
	_ =	sdelay $0x1  }
0x99: {  	s19 =	simm.s32 $_scs_section_size  }
0x9a: {  	s4 =	simm.s32 $_size__tile_overlayer_lowered;
	s5 =	simm.s32 $_tile_overlayer_lowered  }
0x9b: {  	s22 =	simm.s32 $0x1BFF;
	s21 =	sshll.u32 s5, $0x1;
	s2 =	sadd.s32 s19, s18  }
0x9c: {  	s6 =	simm.s32 $0x0;
	s20 =	sshll.u32 s4, $0x1;
	s4 =	sadd.s32 s21, s2  }
0x9d: {  	[timem:s6], [sflag:s22] =	dma.local [hbm:s4], s20  }
0x9e: {  	_ =	swait.ge [sflag:s22], s20  }
0x9f: {  	s3 =	ssub.s32 $0x0, s20;
	[sflag:s22] =	ssyncset.done $0x0  }
0xa0: {  	[sflag:s22] =	ssyncadd.s32 s3;
	_ =	sdelay $0x1  }
0xa1: {  	s23 =	simm.s32 $0x1B8B  }
0xa2: {  	_ =	swait.ge [sflag:s23], $0x1  }
0xa3: {  	[sflag:s23] =	ssyncset.done $0x0  }
0xa4: {  	s25 =	simm.s32 $0x1B8E;
	s24 =	sld [smem:$0x3FFE];
	[sflag:s23] =	ssyncadd.s32 $0xFFFFFFFF  }
0xa5: {  	s26 =	simm.s32 $execute0_lowered;
	[smem:$0x3FD2] =	sst s25  }
0xa6: {  	s4 =	sshll.u32 s26, $0x1;
	_ =	strace $0x80000049;
	[dreg:$0x1] =	wrdreg $0xFFFFFFFF  }
0xa7: {  	s28 =	simm.s32 $_size_execute0_lowered;
	s2 =	sadd.s32 s2, s4;
	[dreg:$0x0] =	wrdreg $0x0  }
0xa8: {  	s4 =	sshll.u32 s28, $0x1;
	[dreg:$0x2] =	wrdreg s2  }
0xa9: {  	[dreg:$0x3] =	wrdreg s4  }
0xaa: {  	[dreg:$0x4] =	wrdreg $0xC0  }
0xab: {  	_ =	task [dreg:s6], $0x5FFFF  }
0xac: {  	[dreg:$0x1] =	wrdreg $0xFFFFFFFF  }
0xad: {  	[dreg:$0x0] =	wrdreg $0x60  }
0xae: {  	[dreg:$0x2] =	wrdreg s24  }
0xaf: {  	[dreg:$0x3] =	wrdreg $0x9  }
0xb0: {  	_ =	task.clear_ibuf [dreg:s6], $0x4FFFF;
	_ =	strace $0x90000049  }
0xb1: {  	s29 =	simm.s32 $0x9;
	_ =	strace $0x8000004B  }
0xb2: {  	_ =	swait.ge [sflag:s29], $0x1  }
0xb3: {  	[sflag:s29] =	ssyncadd.s32 $0xFFFFFFFF  }
0xb4: {  	_ =	strace $0x9000004B  }
0xb5: {  	_ =	sfence  }
0xb6: {  	s30 =	sld [smem:$0x0];
	_ =	sdelay $0x2  }
0xb7: {  	s31 =	sshll.u32 s1, $0xD;
	s1 =	sshrl.u32 s1, $0x2  }
0xb8: {  	s3 =	sand.u32 $0x4000, s31;
	s1 =	sadd.s32 s1, s30  }
0xb9: {  	s0 =	sor.u32 s3, s0;
	s1 =	sshll.u32 s1, $0x11  }
0xba: {  	s0 =	sor.u32 s1, s0  }
0xbb: {  	s0 =	sadd.s32 $0x8F2B, s0  }
0xbc: {  	[sflag:s0] =	ssyncadd.remote.s32 $0x1  }
0xbd: {  	_ =	sfence.sel $0xFFFF  }
0xbe: {  	[dreg:$0x0] =	wrdreg $0xFFFFFFFF;
	(pc) =	sbr.abs _section_cstart, $3  }
0xbf: {  	[dreg:$0x1] =	wrdreg $0xFFFFFFFF  }
0xc0: {  	_ =	task.clear_ibuf [dreg:s6], $0x2FFFF;
	_ =	strace $0x9FFFFFFF  }
0xc1: {  	(tm) =	ssettm $0x7FFFFFFF  }
tec
execute0_lowered:
.L_overlay_start_1:
0x0: {  	(tag) =	ssettag $0x1  }
0x1: {  	s7 =	rddreg [dreg:$0x0]  }
0x2: {  	s0 =	rddreg [dreg:$0x1];
	_ =	strace $0x8000004A  }
0x3: {  	s1 =	srdreg.scid;
	s4 =	simm.s32 $0x1;
	s9 =	simm.s32 $0x3  }
0x4: {  	s12 =	simm.s32 $0x0;
	s10 =	simm.s32 $0x0;
	s5 =	sshll.u32 s1, $0x4  }
.Ltmp0:
0x5: {  	s1 =	stileid.u32;
	s5 =	sand.u32 $0x10, s5;
	(pc) =	sbr.rel .LBB2_1-.Ltmp0, $4  }
0x6: {  	s2 =	sadd.s32 $0x400, s7;
	s3 =	sadd.s32 $0x43800, s7;
	s6 =	sor.u32 s1, s5  }
0x7: {  	[sflag:s4] =	ssyncpa.u1 $0x0;
	s5 =	simm.s32 $0x2;
	s6 =	sshll.u32 s6, $0x8  }
0x8: {  	s7 =	sadd.s32 $0x56A00, s7;
	[sflag:s5] =	ssyncpa.u1 $0x0;
	s8 =	sadd.s32 $0x100, s6  }
0x9: {  	vm0 =	vmmov $0xff;
	vm1 =	vcmask $0x3F20;
	[sflag:s9] =	ssyncpa.u1 $0x0;
	s9 =	simm.s32 $0x100;
	s11 =	smov.u32 s6  }
.LBB2_9:
0xa: {  	p0 =	seq.s32 s10, $0x2  }
.Ltmp1:
0xb: {  	_ = 	snop;
	(pc) =	sbr.rel @p0 .LBB2_11-.Ltmp1, $1  }
0xc: {  	_ =	sdelay $0x3  }
.LBB2_10:
0xd: {  	s12 =	sadd.s32 $0x100, s11  }
0xe: {  	s13 =	smov.u32 s6;
	p0 =	slt.s32 s12, s8  }
0xf: {  	s13 =	smov.u32 @p0 s12  }
0x10: {  	s10 =	sadd.s32 $0x1, s10;
	s12 =	smov.u32 s11;
	s11 =	smov.u32 s13  }
.LBB2_1:
0x11: {  	p0 =	sne.s32 s10, $0x0  }
.Ltmp2:
0x12: {  	_ = 	snop;
	(pc) =	sbr.rel @!p0 .LBB2_2-.Ltmp2, $1  }
0x13: {  	_ =	sdelay $0x3  }
0x14: {  	s13 =	sand.u32 $0x1, s10  }
0x15: {  	p0 =	seq.s32 s13, $0x0  }
.Ltmp3:
0x16: {  	_ = 	snop;
	(pc) =	sbr.rel @p0 .LBB2_9-.Ltmp3, $1  }
0x17: {  	_ =	sdelay $0x3  }
0x18: {  	_ =	swait.ge [sflag:s5], $0x100  }
0x19: {  	[sflag:s5] =	ssyncset.done $0x0  }
0x1a: {  	s13 =	simm.s32 $0x0;
	[sflag:s5] =	ssyncadd.s32 $0xFFFFFF00  }
0x1b: {  	v0 =	vld.msk [tilespmem:s13+$0x100 ss:$0x1], $0xffff;
	_ =	sdelay $0x4  }
0x1c: {  	v1 =	vshll.u32 v0, $0x4  }
0x1d: {  	vm2 =	veq.s32 v0, $0x80000000;
	v0 =	vshll.u32 v0, $0x12;
	v1 =	vand.u32 $0x3FF80, v1  }
0x1e: {  	v0 =	vand.u32 $0x1C0000, v0;
	v1 =	vsel vm2, $0xFFFFFF80, v1  }
0x1f: {  	v0 =	vsel vm2, $0xFFFC0000, v0;
	v2 =	vand.u32 $0xFFFFFC00, v1  }
0x20: {  	v1 =	vand.u32 $0x380, v1;
	v0 =	vadd.s32 v0, v2  }
0x21: {  	v0 =	vor.u32 v1, v0  }
0x22: {  	v0 =	vshrl.u32 v0, $0x3;
	_ =	sdelay $0x3  }
0x23: {  	s13 =	simm.s32 $0x8200  }
0x24: {  	[tilespmem:s13], [sflag:$0x1] =	stream.indirect_vreg.gather [hbm:s2], $0x80, v0, vm0, $0x38;
	[tilespmem:$0x10200] =	vst v63  }
0x25: {  	s14 =	simm.s32 $0x8600;
	s31 =	simm.s32 $0x10  }
0x26: {  	[tilespmem:s14], [sflag:$0x1] =	stream.indirect_vreg.gather [hbm:s2], $0x80, v0, vm1, $0x38;
	[tilespmem:$0x10200] =	vst v63  }
0x27: {  	s14 =	simm.s32 $0x80;
	v0 =	vld.msk [tilespmem:s31+$0x100 ss:$0x1], $0xffff  }
.LBB2_5:
0x28: {  	p0 =	sne.s32 s14, $0x3C0;
	_ =	sdelay $0x4  }
0x29: {  	v1 =	vshll.u32 v0, $0x4  }
0x2a: {  	vm2 =	veq.s32 v0, $0x80000000;
	v0 =	vshll.u32 v0, $0x12;
	v1 =	vand.u32 $0x3FF80, v1  }
0x2b: {  	v0 =	vand.u32 $0x1C0000, v0;
	v1 =	vsel vm2, $0xFFFFFF80, v1  }
0x2c: {  	v0 =	vsel vm2, $0xFFFC0000, v0;
	v2 =	vand.u32 $0xFFFFFC00, v1  }
0x2d: {  	v1 =	vand.u32 $0x380, v1;
	v0 =	vadd.s32 v0, v2  }
0x2e: {  	v0 =	vor.u32 v1, v0  }
0x2f: {  	v0 =	vshrl.u32 v0, $0x3;
	_ =	sdelay $0x3  }
.Ltmp4:
0x30: {  	s13 =	sadd.s32 $0x800, s13;
	(pc) =	sbr.rel @p0 .LBB2_5-.Ltmp4, $4  }
0x31: {  	[tilespmem:s13], [sflag:$0x1] =	stream.indirect_vreg.gather [hbm:s2], $0x80, v0, vm0, $0x38;
	[tilespmem:$0x10200] =	vst v63  }
0x32: {  	s15 =	sshra.s32 s14, $0x2;
	s16 =	sadd.s32 $0x400, s13  }
0x33: {  	[tilespmem:s16], [sflag:$0x1] =	stream.indirect_vreg.gather [hbm:s2], $0x80, v0, vm1, $0x38;
	[tilespmem:$0x10200] =	vst v63  }
0x34: {  	s14 =	sadd.s32 $0x40, s14;
	v0 =	vld.msk [tilespmem:s15+$0x100 ss:$0x1], $0xffff  }
0x35: {  	_ =	sdelay $0x3  }
0x36: {  	v1 =	vshll.u32 v0, $0x4  }
0x37: {  	vm2 =	veq.s32 v0, $0x80000000;
	v63 =	vshll.u32 v0, $0x12;
	v1 =	vand.u32 $0x3FF80, v1  }
0x38: {  	v0 =	vand.u32 $0x1C0000, v63;
	v1 =	vsel vm2, $0xFFFFFF80, v1  }
0x39: {  	v0 =	vsel vm2, $0xFFFC0000, v0;
	v2 =	vand.u32 $0xFFFFFC00, v1  }
0x3a: {  	v1 =	vand.u32 $0x380, v1;
	v0 =	vadd.s32 v0, v2  }
0x3b: {  	v0 =	vor.u32 v1, v0  }
0x3c: {  	v0 =	vshrl.u32 v0, $0x3;
	_ =	sdelay $0x3  }
0x3d: {  	s13 =	sadd.s32 $0x800, s13  }
0x3e: {  	[tilespmem:s13], [sflag:$0x1] =	stream.indirect_vreg.gather [hbm:s2], $0x80, v0, vm0, $0x38;
	[tilespmem:$0x10200] =	vst v63  }
0x3f: {  	s13 =	sadd.s32 $0x400, s13  }
0x40: {  	[tilespmem:s13], [sflag:$0x1] =	stream.indirect_vreg.gather [hbm:s2], $0x80, v0, vm1, $0x38;
	[tilespmem:$0x10200] =	vst v63  }
0x41: {  	s12 =	sshll.u32 s12, $0x4;
	s14 =	simm.s32 $0x80;
	_ =	swait.ge [sflag:s4], $0x8000  }
0x42: {  	s15 =	simm.s32 $0x8600;
	s12 =	sadd.s32 s12, s7;
	[sflag:s4] =	ssyncset.done $0x0  }
0x43: {  	s16 =	sadd.s32 $0x0, s12;
	s13 =	simm.s32 $0x8200;
	[sflag:s4] =	ssyncadd.s32 $0xFFFF8000  }
.LBB2_7:
0x44: {  	[hbm:s16] =	stream.linear.scatter [tilespmem:s13], [sflag:$0x3], $0x400, $0x38;
	[tilespmem:$0x10200] =	vst v63  }
0x45: {  	s16 =	smov.u32 s14;
	s13 =	smov.u32 s15;
	p0 =	sne.s32 s14, $0xF80  }
.Ltmp5:
0x46: {  	s14 =	sadd.s32 $0x80, s14;
	(pc) =	sbr.rel @p0 .LBB2_7-.Ltmp5, $2  }
0x47: {  	_ =	sdelay $0x2  }
0x48: {  	s15 =	sadd.s32 $0x400, s15;
	s16 =	sadd.s32 s16, s12  }
.Ltmp6:
0x49: {  	(pc) =	sbr.rel .LBB2_9-.Ltmp6, $2  }
0x4a: {  	_ =	sdelay $0x2  }
0x4b: {  	[hbm:s16] =	stream.linear.scatter [tilespmem:s13], [sflag:$0x3], $0x400, $0x38;
	[tilespmem:$0x10200] =	vst v63  }
.LBB2_2:
.Ltmp7:
0x4c: {  	(pc) =	sbr.rel .LBB2_10-.Ltmp7, $4  }
0x4d: {  	_ = 	snop  }
0x4e: {  	s12 =	sshrl.u32 s11, $0x3  }
0x4f: {  	s13 =	sand.u32 $0x7, s11;
	s12 =	sadd.s32 s3, s12  }
0x50: {  	[tilespmem:s9], [sflag:$0x2] =	stream.linear.gather [hbm4b:s12+s13], $0x100, $0x38;
	[tilespmem:$0x10200] =	vst v63  }
.LBB2_11:
0x51: {  	s2 =	simm.s32 $0x3  }
0x52: {  	_ =	swait.ge [sflag:s2], $0x8000  }
0x53: {  	[sflag:s2] =	ssyncset.done $0x0  }
0x54: {  	[sflag:s2] =	ssyncadd.s32 $0xFFFF8000  }
0x55: {  	_ =	sfence.sel $0x180000  }
0x56: {  	s3 =	simm.s32 $0x2;
	[bflag:$0x0] =	sbarrier.arrive $0xFFFF  }
0x57: {  	[sflag:s3] =	ssyncpa.u1 $0x1  }
0x58: {  	s31 =	simm.s32 $0x1;
	[sflag:s2] =	ssyncpa.u1 $0x1  }
0x59: {  	[sflag:s31] =	ssyncpa.u1 $0x1  }
0x5a: {  	p0 =	sne.s32 s1, $0x0;
	_ =	strace $0x9000004A  }
0x5b: {  	s0 =	sadd.s32 @!p0 $0x100000, s0;
	[bflag:$0x2] =	sbarrier.arrive $0xFFFF  }
0x5c: {  	[sflag:s0] =	ssyncadd.tile.s32 @!p0 $0x1;
	_ =	shalt  }
.Lfunc_end2:
_tile_overlayer_lowered:
.L_overlay_start_2:
0x5d: {  	(tag) =	ssettag $0x2  }
0x5e: {  	s0 =	rddreg [dreg:$0x0];
	s2 =	stileid.u32  }
0x5f: {  	s1 =	rddreg [dreg:$0x1];
	p0 =	sne.s32 s2, $0x0  }
0x60: {  	s3 =	rddreg [dreg:$0x2];
	[bflag:$0x3] =	sbarrier.arrive $0xFFFF;
	s2 =	simm.s32 @!p0 $0x1C01  }
0x61: {  	[timem:s3], [sflag:s2] =	dma.local @!p0 [hbm:s0], s1  }
0x62: {  	s0 =	simm.s32 @!p0 $0x1  }
0x63: {  	_ =	swait.ge @!p0 [sflag:s0], s1  }
0x64: {  	s1 =	ssub.s32 @!p0 $0x0, s1;
	[sflag:s0] =	ssyncset.done @!p0 $0x0  }
0x65: {  	[sflag:s0] =	ssyncadd.s32 @!p0 s1  }
0x66: {  	[bflag:$0x3] =	sbarrier.arrive $0xFFFF  }
0x67: {  	_ =	shalt  }

</sc_bundles>
